<compile_context>
chip_gen: v7x
topology: tpu7x:2x2x1
jax: 0.10.2.dev20260603
libtpu: 0.0.44.dev20260713+nightly
codegen_flags: <defaults>
</compile_context>

<pallas_src>
import functools

import jax
import jax.numpy as jnp
from jax import lax
from jax.experimental import pallas as pl
from jax.experimental.pallas import tpu as pltpu
from jax.experimental.pallas import tpu_sc as plsc

N_EVENTS = 6000
N_OBJECTS = 4000
N_NODES = 10000
N_HEDGES = 2000
N_INC = 320000
D = 128

NC = 2
NS = 16
NW = NC * NS

NP = 10240
CP = 2048
HR = NP // 2
RB = 640
SW = HR // (NC * RB)
ROWS_SC = RB * SW
IPT = N_INC // NS
CS = 4000
RN = RB * CP
TILE_ELS = RN // NS

_mesh = lambda: plsc.VectorSubcoreMesh(
    core_axis_name="c", subcore_axis_name="s", num_cores=NC, num_subcores=NS)

_sc_params = lambda: pltpu.CompilerParams(needs_layout_passes=False)



ZB = 8192
DUMP = 2048


def _build_body(h, flat, out, flat_v, off_v, ones_v, zero_v, accum):
  c = lax.axis_index("c")
  s = lax.axis_index("s")
  pltpu.sync_copy(flat.at[s], flat_v)
  zeros16 = jnp.zeros((16,), jnp.float32)
  ones16 = jnp.ones((16,), jnp.float32)

  def of(i, _):
    ones_v[pl.ds(i * 16, 16)] = ones16
    return 0
  lax.fori_loop(0, CS // 16, of, 0)

  def zf(i, _):
    zero_v[pl.ds(i * 16, 16)] = zeros16
    return 0
  lax.fori_loop(0, ZB // 16, zf, 0)

  def sweep(k, _):
    base = (h * HR + c * ROWS_SC + k * RB) * CP

    def z(i, _):
      pltpu.sync_copy(zero_v, accum.at[pl.ds(s * TILE_ELS + i * ZB, ZB)])
      return 0
    lax.fori_loop(0, TILE_ELS // ZB, z, 0)
    plsc.subcore_barrier()

    def chunk(q, _):
      def off_i(i, _):
        fv = flat_v[pl.ds(q * CS + i * 16, 16)]
        off = fv - base
        inb = (off >= 0) & (off < RN)
        off_v[pl.ds(i * 16, 16)] = jnp.where(
            inb, off, RN + (fv & (DUMP - 1)))
        return 0
      lax.fori_loop(0, CS // 16, off_i, 0)
      pltpu.sync_copy(ones_v, accum.at[off_v], add=True)
      return 0
    lax.fori_loop(0, IPT // CS, chunk, 0)
    plsc.subcore_barrier()

    row0 = c * ROWS_SC + k * RB
    pltpu.sync_copy(accum.at[pl.ds(s * TILE_ELS, TILE_ELS)],
                    out.at[pl.ds(row0 * CP + s * TILE_ELS, TILE_ELS)])
    plsc.subcore_barrier()
    return 0
  lax.fori_loop(0, SW, sweep, 0)


@functools.partial(jax.jit, static_argnums=0)
def _sc_build(h, flat):
  return pl.kernel(
      functools.partial(_build_body, h),
      out_type=jax.ShapeDtypeStruct((HR * CP,), jnp.float32),
      mesh=_mesh(),
      compiler_params=_sc_params(),
      scratch_types=[
          pltpu.VMEM((IPT,), jnp.int32),
          pltpu.VMEM((CS,), jnp.int32),
          pltpu.VMEM((CS,), jnp.float32),
          pltpu.VMEM((ZB,), jnp.float32),
          pltpu.VMEM_SHARED((RN + DUMP,), jnp.float32),
      ],
  )(flat)


def _gather_body(table, idx, out, idx_v, rows_v, sem):
  c = lax.axis_index("c")
  s = lax.axis_index("s")
  wid = c * NS + s
  bpw = 2048 // NW
  base = wid * bpw
  pltpu.sync_copy(idx.at[pl.ds(base, bpw)], idx_v)
  pltpu.async_copy(table.at[idx_v], rows_v, sem).wait()
  pltpu.sync_copy(rows_v, out.at[pl.ds(base, bpw)])


@jax.jit
def _sc_gather(table, idx):
  bpw = 2048 // NW
  return pl.kernel(
      _gather_body,
      out_type=jax.ShapeDtypeStruct((2048, D), jnp.float32),
      mesh=_mesh(),
      compiler_params=_sc_params(),
      scratch_types=[
          pltpu.VMEM((bpw,), jnp.int32),
          pltpu.VMEM((bpw, D), jnp.float32),
          pltpu.SemaphoreType.DMA,
      ],
  )(table, idx)



def _proj_body(x_ref, w_ref, b_ref, g_ref, be_ref, o_ref):
  y = jnp.dot(x_ref[...], w_ref[...], preferred_element_type=jnp.float32)
  y = y + b_ref[...]
  y = jnp.where(y >= 0, y, 0.2 * y)
  m = jnp.mean(y, axis=-1, keepdims=True)
  v = jnp.mean((y - m) ** 2, axis=-1, keepdims=True)
  o_ref[...] = (y - m) / jnp.sqrt(v + 1e-5) * g_ref[...] + be_ref[...]


@jax.jit
def _proj(x, w, b, g, be):
  n = x.shape[0]
  rb = 1000
  grid = n // rb
  return pl.pallas_call(
      _proj_body,
      grid=(grid,),
      in_specs=[
          pl.BlockSpec((rb, D), lambda i: (i, 0)),
          pl.BlockSpec((D, D), lambda i: (0, 0)),
          pl.BlockSpec((1, D), lambda i: (0, 0)),
          pl.BlockSpec((1, D), lambda i: (0, 0)),
          pl.BlockSpec((1, D), lambda i: (0, 0)),
      ],
      out_specs=pl.BlockSpec((rb, D), lambda i: (i, 0)),
      out_shape=jax.ShapeDtypeStruct((n, D), jnp.float32),
  )(x, w, b.reshape(1, D), g.reshape(1, D), be.reshape(1, D))


def _cast_body(c_ref, cb_ref, nc_ref, ec_ref, ecacc):
  i = pl.program_id(0)
  c = c_ref[...]
  cb_ref[...] = c.astype(jnp.bfloat16)
  rs = jnp.sum(c, axis=1, keepdims=True)
  nc_ref[...] = 1.0 / jnp.maximum(rs, 1.0)

  @pl.when(i == 0)
  def _():
    ecacc[...] = jnp.zeros_like(ecacc)

  ecacc[...] += jnp.sum(c, axis=0, keepdims=True)

  @pl.when(i == pl.num_programs(0) - 1)
  def _():
    ec_ref[...] = ecacc[...]


@jax.jit
def _cast(cmat):
  rb = 1024
  grid = HR // rb
  return pl.pallas_call(
      _cast_body,
      grid=(grid,),
      in_specs=[pl.BlockSpec((rb, CP), lambda i: (i, 0))],
      out_specs=[
          pl.BlockSpec((rb, CP), lambda i: (i, 0)),
          pl.BlockSpec((rb, 1), lambda i: (i, 0)),
          pl.BlockSpec((1, CP), lambda i: (0, 0)),
      ],
      out_shape=[
          jax.ShapeDtypeStruct((HR, CP), jnp.bfloat16),
          jax.ShapeDtypeStruct((HR, 1), jnp.float32),
          jax.ShapeDtypeStruct((1, CP), jnp.float32),
      ],
      scratch_shapes=[pltpu.VMEM((1, CP), jnp.float32)],
  )(cmat)


def _edge_body(c_ref, x_ref, o_ref, acc_ref):
  i = pl.program_id(0)

  @pl.when(i == 0)
  def _():
    acc_ref[...] = jnp.zeros_like(acc_ref)

  acc_ref[...] += lax.dot_general(
      c_ref[...], x_ref[...], (((0,), (0,)), ((), ())),
      preferred_element_type=jnp.float32)

  @pl.when(i == pl.num_programs(0) - 1)
  def _():
    o_ref[...] = acc_ref[...]


@jax.jit
def _edge_mm(cb, x):
  rb = 1024
  grid = HR // rb
  return pl.pallas_call(
      _edge_body,
      grid=(grid,),
      in_specs=[
          pl.BlockSpec((rb, CP), lambda i: (i, 0)),
          pl.BlockSpec((rb, D), lambda i: (i, 0)),
      ],
      out_specs=pl.BlockSpec((CP, D), lambda i: (0, 0)),
      out_shape=jax.ShapeDtypeStruct((CP, D), jnp.float32),
      scratch_shapes=[pltpu.VMEM((CP, D), jnp.float32)],
  )(cb, x)


def _combine_body(p1_ref, p2_ref, e1_ref, e2_ref, o_ref):
  scale = 1.0 / jnp.maximum(e1_ref[...] + e2_ref[...], 1.0)
  ef = (p1_ref[...] + p2_ref[...]) * scale
  o_ref[...] = ef.astype(jnp.bfloat16)


@jax.jit
def _combine(p1, p2, e1, e2):
  return pl.pallas_call(
      _combine_body,
      grid=(1,),
      in_specs=[
          pl.BlockSpec((CP, D), lambda i: (0, 0)),
          pl.BlockSpec((CP, D), lambda i: (0, 0)),
          pl.BlockSpec((CP, 1), lambda i: (0, 0)),
          pl.BlockSpec((CP, 1), lambda i: (0, 0)),
      ],
      out_specs=pl.BlockSpec((CP, D), lambda i: (0, 0)),
      out_shape=jax.ShapeDtypeStruct((CP, D), jnp.bfloat16),
  )(p1, p2, e1.reshape(CP, 1), e2.reshape(CP, 1))


def _node_body(c_ref, ea_ref, nc_ref, x_ref, w_ref, b_ref, o_ref):
  z = jnp.dot(c_ref[...], ea_ref[...], preferred_element_type=jnp.float32)
  nf = z * nc_ref[...]
  y = jnp.dot(nf, w_ref[...], preferred_element_type=jnp.float32) + b_ref[...]
  o_ref[...] = jnp.maximum(y, 0.0) + x_ref[...]


@jax.jit
def _node_mm(cb, ea, ncr, xres, w, b):
  rb = 1024
  grid = HR // rb
  return pl.pallas_call(
      _node_body,
      grid=(grid,),
      in_specs=[
          pl.BlockSpec((rb, CP), lambda i: (i, 0)),
          pl.BlockSpec((CP, D), lambda i: (0, 0)),
          pl.BlockSpec((rb, 1), lambda i: (i, 0)),
          pl.BlockSpec((rb, D), lambda i: (i, 0)),
          pl.BlockSpec((D, D), lambda i: (0, 0)),
          pl.BlockSpec((1, D), lambda i: (0, 0)),
      ],
      out_specs=pl.BlockSpec((rb, D), lambda i: (i, 0)),
      out_shape=jax.ShapeDtypeStruct((HR, D), jnp.float32),
  )(cb, ea, ncr, xres, w, b.reshape(1, D))


def _fusion_body(ev_ref, ob_ref, w1_ref, w2_ref, b_ref, o_ref):
  ev = ev_ref[...]
  ob = ob_ref[...]
  z = (jnp.dot(ob, w1_ref[...], preferred_element_type=jnp.float32)
       + jnp.dot(ev, w2_ref[...], preferred_element_type=jnp.float32)
       + b_ref[...])
  g = jax.nn.sigmoid(z)
  o_ref[...] = g * ob + (1.0 - g) * ev


@jax.jit
def _fusion(ev, ob, w1, w2, b):
  n = ev.shape[0]
  return pl.pallas_call(
      _fusion_body,
      grid=(1,),
      in_specs=[
          pl.BlockSpec((n, D), lambda i: (0, 0)),
          pl.BlockSpec((n, D), lambda i: (0, 0)),
          pl.BlockSpec((D, D), lambda i: (0, 0)),
          pl.BlockSpec((D, D), lambda i: (0, 0)),
          pl.BlockSpec((1, D), lambda i: (0, 0)),
      ],
      out_specs=pl.BlockSpec((n, D), lambda i: (0, 0)),
      out_shape=jax.ShapeDtypeStruct((n, D), jnp.float32),
  )(ev, ob, w1, w2, b.reshape(1, D))



def kernel(object_X, event_X, W_ev, b_ev, g_ev, be_ev, W_ob, b_ob, g_ob, be_ob,
           W1, b1, W2, b2, Wg, bg, node_idx, hedge_idx, main_object, event_sel):
  flat = (node_idx * CP + hedge_idx).reshape(NS, IPT)
  ca = _sc_build(0, flat).reshape(HR, CP)
  cb2_raw = _sc_build(1, flat).reshape(HR, CP)
  cba, ncra, eca = _cast(ca)
  cbb, ncrb, ecb = _cast(cb2_raw)

  ev = _proj(event_X, W_ev, b_ev, g_ev, be_ev)
  ob = _proj(object_X, W_ob, b_ob, g_ob, be_ob)
  X = jnp.concatenate([ev, ob, jnp.zeros((NP - N_NODES, D), jnp.float32)],
                      axis=0)
  Xa, Xb = X[:HR], X[HR:]

  p1a = _edge_mm(cba, Xa.astype(jnp.bfloat16))
  p1b = _edge_mm(cbb, Xb.astype(jnp.bfloat16))
  ef1 = _combine(p1a, p1b, eca, ecb)
  H1a = _node_mm(cba, ef1, ncra, Xa, W1, b1)
  H1b = _node_mm(cbb, ef1, ncrb, Xb, W1, b1)
  p2a = _edge_mm(cba, H1a.astype(jnp.bfloat16))
  p2b = _edge_mm(cbb, H1b.astype(jnp.bfloat16))
  ef2 = _combine(p2a, p2b, eca, ecb)
  H2a = _node_mm(cba, ef2, ncra, H1a, W2, b2)
  H2b = _node_mm(cbb, ef2, ncrb, H1b, W2, b2)
  H2 = jnp.concatenate([H2a, H2b], axis=0)

  sel = jnp.concatenate([event_sel, main_object + N_EVENTS], axis=0)
  rows = _sc_gather(H2, sel)
  return _fusion(rows[:1024], rows[1024:], Wg[:D], Wg[D:], bg)

# --- scband reference (transcript-rebuilt; emitter-appended) ---
"""Pipeline reference for scband-encoder-conv-90022514524501 (READ-ONLY COPY).

The authoritative reference and input builder live on the scoring server;
editing this copy changes nothing except your own understanding.
"""

import jax, jax.numpy as jnp
import numpy as np

N_EVENTS = 6000
N_OBJECTS = 4000
N_NODES = 10000
N_HEDGES = 2000
N_INC = 320000
D = 128
B = 1024


def setup_inputs(seed: int = 0):
    key = jax.random.key(seed)
    ks = jax.random.split(key, 16)
    s = 1.0 / np.sqrt(D)
    s2 = 1.0 / np.sqrt(2 * D)
    return {
        "object_X": jax.random.normal(ks[0], (N_OBJECTS, D), jnp.float32),
        "event_X": jax.random.normal(ks[1], (N_EVENTS, D), jnp.float32),
        "W_ev": jax.random.normal(ks[2], (D, D), jnp.float32) * s,
        "b_ev": jnp.zeros((D,), jnp.float32),
        "g_ev": jnp.ones((D,), jnp.float32),
        "be_ev": jnp.zeros((D,), jnp.float32),
        "W_ob": jax.random.normal(ks[3], (D, D), jnp.float32) * s,
        "b_ob": jnp.zeros((D,), jnp.float32),
        "g_ob": jnp.ones((D,), jnp.float32),
        "be_ob": jnp.zeros((D,), jnp.float32),
        "W1": jax.random.normal(ks[4], (D, D), jnp.float32) * s,
        "b1": jnp.zeros((D,), jnp.float32),
        "W2": jax.random.normal(ks[5], (D, D), jnp.float32) * s,
        "b2": jnp.zeros((D,), jnp.float32),
        "Wg": jax.random.normal(ks[6], (2 * D, D), jnp.float32) * s2,
        "bg": jnp.zeros((D,), jnp.float32),
        "node_idx": jax.random.randint(ks[7], (N_INC,), 0, N_NODES, dtype=jnp.int32),
        "hedge_idx": jax.random.randint(ks[8], (N_INC,), 0, N_HEDGES, dtype=jnp.int32),
        "main_object": jax.random.randint(ks[9], (B,), 0, N_OBJECTS, dtype=jnp.int32),
        "event_sel": jax.random.randint(ks[10], (B,), 0, N_EVENTS, dtype=jnp.int32),
    }


def _ln(x, g, b):
    m = jnp.mean(x, axis=-1, keepdims=True)
    v = jnp.mean((x - m) ** 2, axis=-1, keepdims=True)
    return (x - m) / jnp.sqrt(v + 1e-5) * g + b


def _leaky(x):
    return jnp.where(x >= 0, x, 0.2 * x)


def reference(object_X, event_X, W_ev, b_ev, g_ev, be_ev, W_ob, b_ob, g_ob, be_ob,
              W1, b1, W2, b2, Wg, bg, node_idx, hedge_idx, main_object, event_sel):
    # event_proj / object_proj: Linear -> LeakyReLU(0.2) -> LayerNorm (dropout=identity in eval)
    ev = _ln(_leaky(event_X @ W_ev + b_ev), g_ev, be_ev)
    ob = _ln(_leaky(object_X @ W_ob + b_ob), g_ob, be_ob)
    X = jnp.concatenate([ev, ob], axis=0)  # [N_NODES, D]

    ones = jnp.ones((N_INC, 1), jnp.float32)
    ecnt = jnp.clip(jax.ops.segment_sum(ones, hedge_idx, num_segments=N_HEDGES), 1.0)
    ncnt = jnp.clip(jax.ops.segment_sum(ones, node_idx, num_segments=N_NODES), 1.0)

    def hconv(H, W, b):
        # node -> hyperedge mean aggregation (gather + scatter-add)
        msgs = H[node_idx]
        efeat = jax.ops.segment_sum(msgs, hedge_idx, num_segments=N_HEDGES) / ecnt
        # hyperedge -> node mean aggregation (gather + scatter-add)
        back = efeat[hedge_idx]
        nfeat = jax.ops.segment_sum(back, node_idx, num_segments=N_NODES) / ncnt
        return jax.nn.relu(nfeat @ W + b)

    H1 = hconv(X, W1, b1) + X
    H2 = hconv(H1, W2, b2) + H1

    event_update = H2[:N_EVENTS]
    obj_update = H2[N_EVENTS:]
    event_vec = event_update[event_sel]
    obj_vec = obj_update[main_object]  # extract_rows_by_tensor

    # GatedFusion
    g = jax.nn.sigmoid(jnp.concatenate([obj_vec, event_vec], axis=-1) @ Wg + bg)
    return g * obj_vec + (1.0 - g) * event_vec

if __name__ == "__main__":
    import jax
    _d = setup_inputs()
    print(jax.jit(kernel)(*tuple(_d.values())))

</pallas_src>

<mosaic_0001>
#map = affine_map<(d0, d1) -> (0, 0)>
#map1 = affine_map<(d0, d1) -> (0)>
module attributes {stable_mosaic.version = 14 : i64} {
  func.func @_build_body(%arg0: i32, %arg1: i32, %arg2: memref<16x20000xi32, #tpu.memory_space<hbm>>, %arg3: memref<10485760xf32, #tpu.memory_space<hbm>>, %arg4: memref<20000xi32, #tpu.memory_space<vmem>>, %arg5: memref<4000xi32, #tpu.memory_space<vmem>>, %arg6: memref<4000xf32, #tpu.memory_space<vmem>>, %arg7: memref<8192xf32, #tpu.memory_space<vmem>>, %arg8: memref<1312768xf32, #tpu.memory_space<vmem_shared>>) attributes {dimension_semantics = [#tpu.dimension_semantics<core_parallel>, #tpu.dimension_semantics<subcore_parallel>], iteration_bounds = array<i64: 2, 16>, scalar_prefetch = 0 : i64, scratch_operands = 5 : i64, tpu.core_type = #tpu.core_type<sc_vector_subcore>, window_params = [{transform_indices = #map}, {transform_indices = #map1}]} {
    "tpu.region"() ({
      %run_scoped3A = tpu.sem_alloc : memref<!tpu.dma_semaphore, #tpu.memory_space<semaphore_mem>>
      %dma_start3A = arith.constant 0 : i32
      %dma_start3A_23 = tpu.memref_slice %arg2[%arg1, %dma_start3A] : memref<16x20000xi32, #tpu.memory_space<hbm>> -> memref<1x20000xi32, #tpu.memory_space<hbm>>
      %dma_start3A_24 = tpu.memref_squeeze %dma_start3A_23 : memref<1x20000xi32, #tpu.memory_space<hbm>> -> memref<20000xi32, #tpu.memory_space<hbm>>
      %dma_start3A_25 = arith.constant 0 : i32
      %dma_start3A_26 = tpu.memref_slice %arg2[%arg1, %dma_start3A_25] : memref<16x20000xi32, #tpu.memory_space<hbm>> -> memref<1x20000xi32, #tpu.memory_space<hbm>>
      %dma_start3A_27 = tpu.memref_squeeze %dma_start3A_26 : memref<1x20000xi32, #tpu.memory_space<hbm>> -> memref<20000xi32, #tpu.memory_space<hbm>>
      tpu.enqueue_dma source(%dma_start3A_27 : memref<20000xi32, #tpu.memory_space<hbm>>) target(%arg4 : memref<20000xi32, #tpu.memory_space<vmem>>) target_semaphore(%run_scoped3A : memref<!tpu.dma_semaphore, #tpu.memory_space<semaphore_mem>>)
      %dma_wait3A = arith.constant 0 : i32
      %dma_wait3A_28 = tpu.memref_slice %arg2[%arg1, %dma_wait3A] : memref<16x20000xi32, #tpu.memory_space<hbm>> -> memref<1x20000xi32, #tpu.memory_space<hbm>>
      %dma_wait3A_29 = tpu.memref_squeeze %dma_wait3A_28 : memref<1x20000xi32, #tpu.memory_space<hbm>> -> memref<20000xi32, #tpu.memory_space<hbm>>
      %dma_wait3A_30 = arith.constant 0 : i32
      %dma_wait3A_31 = tpu.memref_slice %arg2[%arg1, %dma_wait3A_30] : memref<16x20000xi32, #tpu.memory_space<hbm>> -> memref<1x20000xi32, #tpu.memory_space<hbm>>
      %dma_wait3A_32 = tpu.memref_squeeze %dma_wait3A_31 : memref<1x20000xi32, #tpu.memory_space<hbm>> -> memref<20000xi32, #tpu.memory_space<hbm>>
      tpu.wait_dma2 semaphore(%run_scoped3A : memref<!tpu.dma_semaphore, #tpu.memory_space<semaphore_mem>>) src(%dma_wait3A_32 : memref<20000xi32, #tpu.memory_space<hbm>>) dst(%arg4 : memref<20000xi32, #tpu.memory_space<vmem>>)
      tpu.yield
    }) : () -> ()
    %broadcast_in_dim3A = arith.constant 0.000000e+00 : f32
    %broadcast_in_dim3A_0 = vector.broadcast %broadcast_in_dim3A : f32 to vector<16xf32>
    %broadcast_in_dim3A_1 = arith.constant 1.000000e+00 : f32
    %broadcast_in_dim3A_2 = vector.broadcast %broadcast_in_dim3A_1 : f32 to vector<16xf32>
    %scan3A = arith.constant 0 : i32
    %scan3A_3 = arith.constant 0 : i32
    %scan3A_4 = arith.constant 250 : i32
    %scan3A_5 = arith.addi %scan3A_3, %scan3A_4 : i32
    %scan3A_6 = arith.constant 1 : i32
    %scan3A_7 = scf.for %scan3A_23 = %scan3A_3 to %scan3A_5 step %scan3A_6 iter_args(%scan3A_24 = %scan3A) -> (i32)  : i32 {
      %mul3A = arith.constant 16 : i32
      %mul3A_25 = arith.muli %scan3A_23, %mul3A : i32
      %swap3A = arith.index_cast %mul3A_25 : i32 to index
      %swap3A_26 = tpu.vector_load %arg6[%swap3A] {strides = array<i32>} : memref<4000xf32, #tpu.memory_space<vmem>>, vector<16xf32>,
      tpu.vector_store %arg6[%swap3A], %broadcast_in_dim3A_2 {strides = array<i32>} : memref<4000xf32, #tpu.memory_space<vmem>>, vector<16xf32>,
      %scan3A_27 = arith.constant 0 : i32
      scf.yield %scan3A_27 : i32
    }
    %scan3A_8 = arith.constant 250 : i32
    %scan3A_9 = arith.constant 0 : i32
    %scan3A_10 = arith.constant 0 : i32
    %scan3A_11 = arith.constant 512 : i32
    %scan3A_12 = arith.addi %scan3A_10, %scan3A_11 : i32
    %scan3A_13 = arith.constant 1 : i32
    %scan3A_14 = scf.for %scan3A_23 = %scan3A_10 to %scan3A_12 step %scan3A_13 iter_args(%scan3A_24 = %scan3A_9) -> (i32)  : i32 {
      %mul3A = arith.constant 16 : i32
      %mul3A_25 = arith.muli %scan3A_23, %mul3A : i32
      %swap3A = arith.index_cast %mul3A_25 : i32 to index
      %swap3A_26 = tpu.vector_load %arg7[%swap3A] {strides = array<i32>} : memref<8192xf32, #tpu.memory_space<vmem>>, vector<16xf32>,
      tpu.vector_store %arg7[%swap3A], %broadcast_in_dim3A_0 {strides = array<i32>} : memref<8192xf32, #tpu.memory_space<vmem>>, vector<16xf32>,
      %scan3A_27 = arith.constant 0 : i32
      scf.yield %scan3A_27 : i32
    }
    %scan3A_15 = arith.constant 512 : i32
    %scan3A_16 = arith.constant 0 : i32
    %scan3A_17 = arith.constant 0 : i32
    %scan3A_18 = arith.constant 4 : i32
    %scan3A_19 = arith.addi %scan3A_17, %scan3A_18 : i32
    %scan3A_20 = arith.constant 1 : i32
    %scan3A_21 = scf.for %scan3A_23 = %scan3A_17 to %scan3A_19 step %scan3A_20 iter_args(%scan3A_24 = %scan3A_16) -> (i32)  : i32 {
      %mul3A = arith.constant 2560 : i32
      %mul3A_25 = arith.muli %arg0, %mul3A : i32
      %add3A = arith.constant 0 : i32
      %add3A_26 = arith.addi %add3A, %mul3A_25 : i32
      %mul3A_27 = arith.constant 640 : i32
      %mul3A_28 = arith.muli %scan3A_23, %mul3A_27 : i32
      %add3A_29 = arith.addi %add3A_26, %mul3A_28 : i32
      %mul3A_30 = arith.constant 2048 : i32
      %mul3A_31 = arith.muli %add3A_29, %mul3A_30 : i32
      %scan3A_32 = arith.constant 0 : i32
      %scan3A_33 = arith.constant 0 : i32
      %scan3A_34 = arith.constant 10 : i32
      %scan3A_35 = arith.addi %scan3A_33, %scan3A_34 : i32
      %scan3A_36 = arith.constant 1 : i32
      %scan3A_37 = scf.for %scan3A_61 = %scan3A_33 to %scan3A_35 step %scan3A_36 iter_args(%scan3A_62 = %scan3A_32) -> (i32)  : i32 {
        %mul3A_63 = arith.constant 81920 : i32
        %mul3A_64 = arith.muli %arg1, %mul3A_63 : i32
        %mul3A_65 = arith.constant 8192 : i32
        %mul3A_66 = arith.muli %scan3A_61, %mul3A_65 : i32
        %add3A_67 = arith.addi %mul3A_64, %mul3A_66 : i32
        "tpu.region"() ({
          %run_scoped3A = tpu.sem_alloc : memref<!tpu.dma_semaphore, #tpu.memory_space<semaphore_mem>>
          %dma_start3A = tpu.memref_slice %arg8[%add3A_67] : memref<1312768xf32, #tpu.memory_space<vmem_shared>> -> memref<8192xf32, #tpu.memory_space<vmem_shared>>
          %dma_start3A_69 = tpu.memref_slice %arg8[%add3A_67] : memref<1312768xf32, #tpu.memory_space<vmem_shared>> -> memref<8192xf32, #tpu.memory_space<vmem_shared>>
          tpu.enqueue_dma source(%arg7 : memref<8192xf32, #tpu.memory_space<vmem>>) target(%dma_start3A_69 : memref<8192xf32, #tpu.memory_space<vmem_shared>>) target_semaphore(%run_scoped3A : memref<!tpu.dma_semaphore, #tpu.memory_space<semaphore_mem>>)
          %dma_wait3A = tpu.memref_slice %arg8[%add3A_67] : memref<1312768xf32, #tpu.memory_space<vmem_shared>> -> memref<8192xf32, #tpu.memory_space<vmem_shared>>
          %dma_wait3A_70 = tpu.memref_slice %arg8[%add3A_67] : memref<1312768xf32, #tpu.memory_space<vmem_shared>> -> memref<8192xf32, #tpu.memory_space<vmem_shared>>
          tpu.wait_dma2 semaphore(%run_scoped3A : memref<!tpu.dma_semaphore, #tpu.memory_space<semaphore_mem>>) src(%arg7 : memref<8192xf32, #tpu.memory_space<vmem>>) dst(%dma_wait3A_70 : memref<8192xf32, #tpu.memory_space<vmem_shared>>)
          tpu.yield
        }) : () -> ()
        %scan3A_68 = arith.constant 0 : i32
        scf.yield %scan3A_68 : i32
      }
      %scan3A_38 = arith.constant 10 : i32
      %barrier3A = arith.constant 0 : index
      tpu.barrier barrier_id(%barrier3A)
      %scan3A_39 = arith.constant 0 : i32
      %scan3A_40 = arith.constant 0 : i32
      %scan3A_41 = arith.constant 5 : i32
      %scan3A_42 = arith.addi %scan3A_40, %scan3A_41 : i32
      %scan3A_43 = arith.constant 1 : i32
      %scan3A_44 = scf.for %scan3A_61 = %scan3A_40 to %scan3A_42 step %scan3A_43 iter_args(%scan3A_62 = %scan3A_39) -> (i32)  : i32 {
        %scan3A_63 = arith.constant 0 : i32
        %scan3A_64 = arith.constant 0 : i32
        %scan3A_65 = arith.constant 250 : i32
        %scan3A_66 = arith.addi %scan3A_64, %scan3A_65 : i32
        %scan3A_67 = arith.constant 1 : i32
        %scan3A_68 = scf.for %scan3A_71 = %scan3A_64 to %scan3A_66 step %scan3A_67 iter_args(%scan3A_72 = %scan3A_63) -> (i32)  : i32 {
          %mul3A_73 = arith.constant 4000 : i32
          %mul3A_74 = arith.muli %scan3A_61, %mul3A_73 : i32
          %mul3A_75 = arith.constant 16 : i32
          %mul3A_76 = arith.muli %scan3A_71, %mul3A_75 : i32
          %add3A_77 = arith.addi %mul3A_74, %mul3A_76 : i32
          %get3A = arith.index_cast %add3A_77 : i32 to index
          %get3A_78 = tpu.vector_load %arg4[%get3A] {strides = array<i32>} : memref<20000xi32, #tpu.memory_space<vmem>>, vector<16xi32>,
          %sub3A = vector.broadcast %mul3A_31 : i32 to vector<16xi32>
          %sub3A_79 = arith.subi %get3A_78, %sub3A : vector<16xi32>
          %ge3A = arith.constant 0 : i32
          %ge3A_80 = vector.broadcast %ge3A : i32 to vector<16xi32>
          %ge3A_81 = arith.cmpi sge, %sub3A_79, %ge3A_80 : vector<16xi32>
          %lt3A = arith.constant 1310720 : i32
          %lt3A_82 = vector.broadcast %lt3A : i32 to vector<16xi32>
          %lt3A_83 = arith.cmpi slt, %sub3A_79, %lt3A_82 : vector<16xi32>
          %and3A = arith.andi %ge3A_81, %lt3A_83 : vector<16xi1>
          %and3A_84 = arith.constant 2047 : i32
          %and3A_85 = vector.broadcast %and3A_84 : i32 to vector<16xi32>
          %and3A_86 = arith.andi %get3A_78, %and3A_85 : vector<16xi32>
          %add3A_87 = arith.constant 1310720 : i32
          %add3A_88 = vector.broadcast %add3A_87 : i32 to vector<16xi32>
          %add3A_89 = arith.addi %add3A_88, %and3A_86 : vector<16xi32>
          %select_n3A = arith.select %and3A, %sub3A_79, %add3A_89 : vector<16xi1>, vector<16xi32>
          %mul3A_90 = arith.constant 16 : i32
          %mul3A_91 = arith.muli %scan3A_71, %mul3A_90 : i32
          %swap3A = arith.index_cast %mul3A_91 : i32 to index
          %swap3A_92 = tpu.vector_load %arg5[%swap3A] {strides = array<i32>} : memref<4000xi32, #tpu.memory_space<vmem>>, vector<16xi32>,
          tpu.vector_store %arg5[%swap3A], %select_n3A {strides = array<i32>} : memref<4000xi32, #tpu.memory_space<vmem>>, vector<16xi32>,
          %scan3A_93 = arith.constant 0 : i32
          scf.yield %scan3A_93 : i32
        }
        %scan3A_69 = arith.constant 250 : i32
        "tpu.region"() ({
          %run_scoped3A = tpu.sem_alloc : memref<!tpu.dma_semaphore, #tpu.memory_space<semaphore_mem>>
          %dma_start3A = arith.constant 0 : i32
          %dma_start3A_71 = tpu.memref_slice %arg8[%dma_start3A] : memref<1312768xf32, #tpu.memory_space<vmem_shared>> -> memref<1312768xf32, #tpu.memory_space<vmem_shared>>
          tpu.enqueue_indirect_dma source(%arg6 : memref<4000xf32, #tpu.memory_space<vmem>>) target(%dma_start3A_71 : memref<1312768xf32, #tpu.memory_space<vmem_shared>>) offsets(%arg5 : memref<4000xi32, #tpu.memory_space<vmem>>) semaphore(%run_scoped3A : memref<!tpu.dma_semaphore, #tpu.memory_space<semaphore_mem>>) {add = true}
          %dma_wait3A = arith.constant 0 : i32
          %dma_wait3A_72 = tpu.memref_slice %arg8[%dma_wait3A] : memref<1312768xf32, #tpu.memory_space<vmem_shared>> -> memref<1312768xf32, #tpu.memory_space<vmem_shared>>
          tpu.wait_indirect_dma semaphore(%run_scoped3A : memref<!tpu.dma_semaphore, #tpu.memory_space<semaphore_mem>>) src(%arg6 : memref<4000xf32, #tpu.memory_space<vmem>>) dst(%dma_wait3A_72 : memref<1312768xf32, #tpu.memory_space<vmem_shared>>)
          tpu.yield
        }) : () -> ()
        %scan3A_70 = arith.constant 0 : i32
        scf.yield %scan3A_70 : i32
      }
      %scan3A_45 = arith.constant 5 : i32
      %barrier3A_46 = arith.constant 0 : index
      tpu.barrier barrier_id(%barrier3A_46)
      %mul3A_47 = arith.constant 2560 : i32
      %mul3A_48 = arith.muli %arg0, %mul3A_47 : i32
      %mul3A_49 = arith.constant 640 : i32
      %mul3A_50 = arith.muli %scan3A_23, %mul3A_49 : i32
      %add3A_51 = arith.addi %mul3A_48, %mul3A_50 : i32
      %mul3A_52 = arith.constant 81920 : i32
      %mul3A_53 = arith.muli %arg1, %mul3A_52 : i32
      %mul3A_54 = arith.constant 2048 : i32
      %mul3A_55 = arith.muli %add3A_51, %mul3A_54 : i32
      %mul3A_56 = arith.constant 81920 : i32
      %mul3A_57 = arith.muli %arg1, %mul3A_56 : i32
      %add3A_58 = arith.addi %mul3A_55, %mul3A_57 : i32
      "tpu.region"() ({
        %run_scoped3A = tpu.sem_alloc : memref<!tpu.dma_semaphore, #tpu.memory_space<semaphore_mem>>
        %dma_start3A = tpu.memref_slice %arg3[%add3A_58] : memref<10485760xf32, #tpu.memory_space<hbm>> -> memref<81920xf32, #tpu.memory_space<hbm>>
        %dma_start3A_61 = tpu.memref_slice %arg8[%mul3A_53] : memref<1312768xf32, #tpu.memory_space<vmem_shared>> -> memref<81920xf32, #tpu.memory_space<vmem_shared>>
        tpu.enqueue_dma source(%dma_start3A_61 : memref<81920xf32, #tpu.memory_space<vmem_shared>>) target(%dma_start3A : memref<81920xf32, #tpu.memory_space<hbm>>) target_semaphore(%run_scoped3A : memref<!tpu.dma_semaphore, #tpu.memory_space<semaphore_mem>>)
        %dma_wait3A = tpu.memref_slice %arg3[%add3A_58] : memref<10485760xf32, #tpu.memory_space<hbm>> -> memref<81920xf32, #tpu.memory_space<hbm>>
        %dma_wait3A_62 = tpu.memref_slice %arg8[%mul3A_53] : memref<1312768xf32, #tpu.memory_space<vmem_shared>> -> memref<81920xf32, #tpu.memory_space<vmem_shared>>
        tpu.wait_dma2 semaphore(%run_scoped3A : memref<!tpu.dma_semaphore, #tpu.memory_space<semaphore_mem>>) src(%dma_wait3A_62 : memref<81920xf32, #tpu.memory_space<vmem_shared>>) dst(%dma_wait3A : memref<81920xf32, #tpu.memory_space<hbm>>)
        tpu.yield
      }) : () -> ()
      %barrier3A_59 = arith.constant 0 : index
      tpu.barrier barrier_id(%barrier3A_59)
      %scan3A_60 = arith.constant 0 : i32
      scf.yield %scan3A_60 : i32
    }
    %scan3A_22 = arith.constant 4 : i32
    return
  }
}

</mosaic_0001>

<sc_bundles>
// kernel: _sc_build.3.cloned.1.call-start
scs
__scs_entry_jumppad:
0x0: {  	(pc) =	sbr.rel $0x88, $3  }
0x1: {  	(tag) =	ssettag $0x0;
	lr =	simm.s32 $0x1  }
0x2: {  	[smem:$0x3FA0] =	sst lr;
	_ =	strace $0xD0000000  }
0x3: {  	_ = 	snop  }
0x4: {  	_ = 	snop  }
0x5: {  	_ = 	snop  }
0x6: {  	_ = 	snop  }
0x7: {  	_ = 	snop  }
__scs_overlays_trampoline_lowered:
0x8: {  	[smem:$0x3FAF] =	sst s0  }
0x9: {  	[smem:$0x3FB0] =	sst s1  }
0xa: {  	[smem:$0x3FB1] =	sst s2  }
0xb: {  	[smem:$0x3FB2] =	sst s3  }
0xc: {  	[smem:$0x3FB3] =	sst s4  }
0xd: {  	[smem:$0x3FB4] =	sst s5  }
0xe: {  	[smem:$0x3FB5] =	sst s6  }
0xf: {  	[smem:$0x3FB6] =	sst s7  }
0x10: {  	[smem:$0x3FB7] =	sst s8  }
0x11: {  	[smem:$0x3FB8] =	sst s9;
	s0 =	simm.s32 @!p0 $0x0  }
0x12: {  	s1 =	sld [smem:$0x3F9E];
	s0 =	simm.s32 @p0 $0x1  }
0x13: {  	[smem:$0x3FB9] =	sst s0;
	s0 =	simm.s32 @!p1 $0x0  }
0x14: {  	s2 =	sld [smem:$0x3F9D];
	s0 =	simm.s32 @p1 $0x1  }
0x15: {  	[smem:$0x3FBA] =	sst s0;
	s0 =	simm.s32 @!p2 $0x0  }
0x16: {  	s3 =	sld [smem:$0x3FDB];
	s0 =	simm.s32 @p2 $0x1  }
0x17: {  	s4 =	simm.s32 $0x1BF5;
	[smem:$0x3FBC] =	sst s0  }
0x18: {  	s0 =	sld [smem:$0x3F9F];
	_ =	swait.ge [sflag:s4], $0x0  }
0x19: {  	s7 =	sld [smem:$0x3FA0]  }
0x1a: {  	s8 =	sadd.s32 $0xFFFFE003, lr  }
0x1b: {  	s9 =	sadd.s32 $0xFFFFFEF7, lr;
	s5 =	simm.s32 $0xFFFFFFFF;
	p2 =	slt.u32 s8, $0xFFFFF086  }
0x1c: {  	p1 =	slt.u32 s9, $0xF7A;
	s5 =	simm.s32 @!p2 $0x0  }
0x1d: {  	s5 =	simm.s32 @p1 $0x1;
	p0 =	seq.s32 s7, s2  }
0x1e: {  	s7 =	smul.u32 @!p0 $0xF7A, s2;
	p2 =	seq.s32 @!p0 s5, $0x0  }
0x1f: {  	s9 =	smul.u32 $0xF7A, s1;
	s8 =	simm.s32 @!p0 $0x1BF5;
	p2 =	por !p2, p0  }
0x20: {  	[sflag:s8] =	ssyncset.s32 @!p0 $0xFFFFF086;
	s6 =	sadd.s32 @!p0 s3, s7;
	s7 =	simm.s32 @!p0 $0x108  }
0x21: {  	s3 =	sadd.s32 s3, s9;
	s6 =	sadd.s32 @!p0 $0x88, s6;
	s7 =	simm.s32 @p2 $0x1082  }
0x22: {  	[simem:s7], [sflag:s8] =	dma.local @!p0 [hbm:s6], $0xF7A  }
0x23: {  	s9 =	sor.u32 $0xD0000000, s2;
	s6 =	simm.s32 $0x108;
	_ =	swait.ge @!p0 [sflag:s8], $0x0  }
0x24: {  	s3 =	sadd.s32 $0x88, s3;
	s6 =	simm.s32 @!p1 $0x1082;
	[sflag:s4] =	ssyncset.s32 $0xFFFFF086  }
0x25: {  	[simem:s6], [sflag:s4] =	dma.local [hbm:s3], $0xF7A  }
0x26: {  	[smem:$0x3FA0] =	sst s1;
	(tag) =	ssettag s2;
	_ =	strace s9  }
0x27: {  	s1 =	sld [smem:$0x3FB0]  }
0x28: {  	s2 =	sld [smem:$0x3FB1]  }
0x29: {  	s4 =	sld [smem:$0x3FB3]  }
0x2a: {  	p0 =	seq.s32 s5, $0x0;
	s5 =	sld [smem:$0x3FB4]  }
0x2b: {  	s6 =	sld [smem:$0x3FB5]  }
0x2c: {  	s7 =	sld [smem:$0x3FB6]  }
0x2d: {  	s3 =	simm.s32 $0x108;
	s8 =	sld [smem:$0x3FB7]  }
0x2e: {  	s3 =	simm.s32 @!p0 $0x1082;
	s9 =	sld [smem:$0x3FB8]  }
0x2f: {  	lr =	sadd.s32 s0, s3;
	s0 =	sld [smem:$0x3FAF]  }
0x30: {  	s3 =	sld [smem:$0x3FB2]  }
0x31: {  	[smem:$0x3FBB] =	sst s10  }
0x32: {  	s10 =	sld [smem:$0x3FB9];
	_ =	sdelay $0x3  }
0x33: {  	p0 =	seq.s32 s10, $0x1;
	s10 =	sld [smem:$0x3FBB];
	_ =	sdelay $0x3  }
0x34: {  	[smem:$0x3FBB] =	sst s10  }
0x35: {  	s10 =	sld [smem:$0x3FBA];
	_ =	sdelay $0x3  }
0x36: {  	p1 =	seq.s32 s10, $0x1;
	s10 =	sld [smem:$0x3FBB];
	_ =	sdelay $0x3  }
0x37: {  	[smem:$0x3FBB] =	sst s10  }
0x38: {  	s10 =	sld [smem:$0x3FBC]  }
0x39: {  	_ = 	snop;
	(pc) =	sbr.ind lr, $3  }
0x3a: {  	_ = 	snop  }
0x3b: {  	_ = 	snop  }
0x3c: {  	p2 =	seq.s32 s10, $0x1;
	s10 =	sld [smem:$0x3FBB]  }
0x3d: {  	_ =	shalt  }
0x3e: {  	_ =	shalt  }
0x3f: {  	_ =	shalt  }
0x40: {  	_ =	shalt  }
0x41: {  	_ =	shalt  }
0x42: {  	_ =	shalt  }
0x43: {  	_ =	shalt  }
0x44: {  	_ =	shalt  }
0x45: {  	_ =	shalt  }
0x46: {  	_ =	shalt  }
0x47: {  	_ =	shalt  }
0x48: {  	_ =	shalt  }
0x49: {  	_ =	shalt  }
0x4a: {  	_ =	shalt  }
0x4b: {  	_ =	shalt  }
0x4c: {  	_ =	shalt  }
0x4d: {  	_ =	shalt  }
0x4e: {  	_ =	shalt  }
0x4f: {  	_ =	shalt  }
0x50: {  	_ =	shalt  }
0x51: {  	_ =	shalt  }
0x52: {  	_ =	shalt  }
0x53: {  	_ =	shalt  }
0x54: {  	_ =	shalt  }
0x55: {  	_ =	shalt  }
0x56: {  	_ =	shalt  }
0x57: {  	_ =	shalt  }
0x58: {  	_ =	shalt  }
0x59: {  	_ =	shalt  }
0x5a: {  	_ =	shalt  }
0x5b: {  	_ =	shalt  }
0x5c: {  	_ =	shalt  }
0x5d: {  	_ =	shalt  }
0x5e: {  	_ =	shalt  }
0x5f: {  	_ =	shalt  }
0x60: {  	_ =	shalt  }
0x61: {  	_ =	shalt  }
0x62: {  	_ =	shalt  }
0x63: {  	_ =	shalt  }
0x64: {  	_ =	shalt  }
0x65: {  	_ =	shalt  }
0x66: {  	_ =	shalt  }
0x67: {  	_ =	shalt  }
0x68: {  	_ =	shalt  }
0x69: {  	_ =	shalt  }
0x6a: {  	_ =	shalt  }
0x6b: {  	_ =	shalt  }
0x6c: {  	_ =	shalt  }
0x6d: {  	_ =	shalt  }
0x6e: {  	_ =	shalt  }
0x6f: {  	_ =	shalt  }
0x70: {  	_ =	shalt  }
0x71: {  	_ =	shalt  }
0x72: {  	_ =	shalt  }
0x73: {  	_ =	shalt  }
0x74: {  	_ =	shalt  }
0x75: {  	_ =	shalt  }
0x76: {  	_ =	shalt  }
0x77: {  	_ =	shalt  }
0x78: {  	_ =	shalt  }
0x79: {  	_ =	shalt  }
0x7a: {  	_ =	shalt  }
0x7b: {  	_ =	shalt  }
0x7c: {  	_ =	shalt  }
0x7d: {  	_ =	shalt  }
0x7e: {  	_ =	shalt  }
0x7f: {  	_ =	shalt  }
0x80: {  	_ =	shalt  }
0x81: {  	_ =	shalt  }
0x82: {  	_ =	shalt  }
0x83: {  	_ =	shalt  }
0x84: {  	_ =	shalt  }
0x85: {  	_ =	shalt  }
0x86: {  	_ =	shalt  }
0x87: {  	_ =	shalt  }
.Lfunc_end0:
.L_simem_size_0:
called_computation_lowered:
.L_overlay_start_0:
0x88: {  	s2 =	sld [smem:$0x3FD9]  }
0x89: {  	s3 =	sld [smem:$0x3FFE];
	_ =	sdelay $0x1  }
0x8a: {  	s1 =	srdreg.scid  }
0x8b: {  	s0 =	sand.u32 $0x1, s1  }
0x8c: {  	s18 =	sshll.u32 s0, $0xA;
	s2 =	sadd.s32 s3, s2  }
0x8d: {  	s2 =	sadd.s32 s2, s18  }
0x8e: {  	[smem:$0x3FC7] =	sst s2  }
0x8f: {  	_ = 	snop  }
0x90: {  	s2 =	sld [smem:$0x3FC9]  }
0x91: {  	s19 =	sld [smem:$0x3FD0];
	(tm) =	ssettm $0x1  }
0x92: {  	s4 =	sld [smem:$0x3FFB];
	_ =	sdelay $0x3  }
0x93: {  	_ =	strace s4  }
0x94: {  	s4 =	sld [smem:$0x3FFC];
	_ =	sdelay $0x3  }
0x95: {  	_ =	strace s4  }
0x96: {  	s4 =	sld [smem:$0x3FFD];
	_ =	sdelay $0x3  }
0x97: {  	_ =	strace s4  }
0x98: {  	_ =	strace $0x8FFFFFFF  }
0x99: {  	s20 =	sld [smem:$0x3FDB];
	_ =	sdelay $0x1  }
0x9a: {  	s5 =	simm.s32 $_scs_section_size  }
0x9b: {  	s6 =	simm.s32 $_size__tile_overlayer_lowered;
	s7 =	simm.s32 $_tile_overlayer_lowered  }
0x9c: {  	s23 =	simm.s32 $0x1BFF;
	s22 =	sshll.u32 s7, $0x1;
	s4 =	sadd.s32 s5, s20  }
0x9d: {  	s8 =	simm.s32 $0x0;
	s21 =	sshll.u32 s6, $0x1;
	s6 =	sadd.s32 s22, s4  }
0x9e: {  	[timem:s8], [sflag:s23] =	dma.local [hbm:s6], s21  }
0x9f: {  	_ =	swait.ge [sflag:s23], s21  }
0xa0: {  	s5 =	ssub.s32 $0x0, s21;
	[sflag:s23] =	ssyncset.done $0x0  }
0xa1: {  	[sflag:s23] =	ssyncadd.s32 s5;
	_ =	sdelay $0x1  }
0xa2: {  	s24 =	simm.s32 $0x1B8B  }
0xa3: {  	_ =	swait.ge [sflag:s24], $0x1  }
0xa4: {  	[sflag:s24] =	ssyncset.done $0x0  }
0xa5: {  	s25 =	simm.s32 $0x1B8E;
	[sflag:s24] =	ssyncadd.s32 $0xFFFFFFFF  }
0xa6: {  	s26 =	simm.s32 $execute0_lowered;
	[smem:$0x3FD2] =	sst s25  }
0xa7: {  	s5 =	sshll.u32 s26, $0x1;
	_ =	strace $0x80000046;
	[dreg:$0x1] =	wrdreg $0xFFFFFFFF  }
0xa8: {  	s28 =	simm.s32 $_size_execute0_lowered;
	s4 =	sadd.s32 s4, s5;
	[dreg:$0x0] =	wrdreg $0x0  }
0xa9: {  	s5 =	sshll.u32 s28, $0x1;
	[dreg:$0x2] =	wrdreg s4  }
0xaa: {  	[dreg:$0x3] =	wrdreg s5  }
0xab: {  	[dreg:$0x4] =	wrdreg $0xC0  }
0xac: {  	_ =	task [dreg:s8], $0x5FFFF  }
0xad: {  	[dreg:$0x1] =	wrdreg $0xFFFFFFFF  }
0xae: {  	[dreg:$0x0] =	wrdreg $0x60  }
0xaf: {  	[dreg:$0x2] =	wrdreg s2  }
0xb0: {  	[dreg:$0x3] =	wrdreg s19  }
0xb1: {  	[dreg:$0x4] =	wrdreg $0x8E800  }
0xb2: {  	[dreg:$0x5] =	wrdreg $0x9  }
0xb3: {  	_ =	task.clear_ibuf [dreg:s8], $0x6FFFF;
	_ =	strace $0x90000046  }
0xb4: {  	s29 =	simm.s32 $0x9;
	_ =	strace $0x80000048  }
0xb5: {  	_ =	swait.ge [sflag:s29], $0x1  }
0xb6: {  	[sflag:s29] =	ssyncadd.s32 $0xFFFFFFFF  }
0xb7: {  	_ =	strace $0x90000048  }
0xb8: {  	_ =	sfence  }
0xb9: {  	s30 =	sld [smem:$0x0];
	_ =	sdelay $0x2  }
0xba: {  	s31 =	sshll.u32 s1, $0xD;
	s1 =	sshrl.u32 s1, $0x2  }
0xbb: {  	s3 =	sand.u32 $0x4000, s31;
	s1 =	sadd.s32 s1, s30  }
0xbc: {  	s0 =	sor.u32 s3, s0;
	s1 =	sshll.u32 s1, $0x11  }
0xbd: {  	s0 =	sor.u32 s1, s0  }
0xbe: {  	s0 =	sadd.s32 $0x8F2B, s0  }
0xbf: {  	[sflag:s0] =	ssyncadd.remote.s32 $0x1  }
0xc0: {  	_ =	sfence.sel $0xFFFF  }
0xc1: {  	[dreg:$0x0] =	wrdreg $0xFFFFFFFF;
	(pc) =	sbr.abs _section_cstart, $3  }
0xc2: {  	[dreg:$0x1] =	wrdreg $0xFFFFFFFF  }
0xc3: {  	_ =	task.clear_ibuf [dreg:s8], $0x2FFFF;
	_ =	strace $0x9FFFFFFF  }
0xc4: {  	(tm) =	ssettm $0x7FFFFFFF  }
0xc5: {  	_ =	shalt  }
tec
execute0_lowered:
.L_overlay_start_1:
0x0: {  	(tag) =	ssettag $0x1  }
0x1: {  	s0 =	rddreg [dreg:$0x0]  }
0x2: {  	s2 =	rddreg [dreg:$0x1]  }
0x3: {  	s3 =	rddreg [dreg:$0x2];
	s4 =	simm.s32 $0x0;
	s1 =	stileid.u32  }
0x4: {  	s5 =	srdreg.scid;
	s19 =	simm.s32 $0x80;
	s20 =	simm.s32 $0x400  }
0x5: {  	s21 =	simm.s32 $0x1;
	s22 =	simm.s32 $0x6E80;
	s23 =	simm.s32 $0xFA0  }
0x6: {  	s24 =	simm.s32 $0x4E80;
	s28 =	simm.s32 $0x0;
	[smem:$0x7FF] =	sst s4  }
0x7: {  	s6 =	sshrl.u32 s1, $0x3;
	s7 =	sand.u32 $0x1, s5;
	s10 =	smul.u32 $0x50000, s1  }
0x8: {  	s29 =	sshll.u32 s1, $0x7;
	s26 =	smul.u32 $0x27400, s6;
	_ =	strace $0x80000047  }
0x9: {  	s8 =	ssub.s32 $0x2, s7;
	s6 =	sand.u32 $0x380, s29;
	s7 =	smul.u32 $0xA00, s7  }
0xa: {  	s9 =	sshrl.u32 s8, $0x1;
	s30 =	sshrl.u32 s10, $0x2;
	s5 =	sor.u32 s6, s26  }
0xb: {  	s9 =	ssub.s32 s8, s9;
	s8 =	sadd.s32 s30, s3;
	s26 =	simm.s32 $0x5E80  }
0xc: {  	s6 =	sshrl.u32 s5, $0x3;
	s5 =	smul.u32 $0x14000, s1;
	s9 =	smax.u32 s9, $0x1  }
0xd: {  	s10 =	sadd.s32 $0x2000, s8;
	s11 =	sadd.s32 $0x4000, s8;
	s12 =	sadd.s32 $0x6000, s8  }
0xe: {  	s13 =	sadd.s32 $0x8000, s8;
	s14 =	sadd.s32 $0xA000, s8;
	s15 =	sadd.s32 $0xC000, s8  }
0xf: {  	s16 =	sadd.s32 $0xE000, s8;
	s17 =	sadd.s32 $0x10000, s8;
	s31 =	sadd.s32 s5, s3  }
0x10: {  	v0 =	vimm.f32 $1.000000000e+00;
	v1 =	vimm.f32 $0.0e+00;
	s18 =	sadd.s32 $0x12000, s8;
	s6 =	sadd.s32 s0, s6;
	s25 =	sshrl.u32 s31, $0x3  }
.LBB2_1:
0x11: {  	s0 =	simm.s32 $0x0  }
0x12: {  	[tilespmem:s0], [sflag:$0x1] =	stream.strided.gather [hbm4b:s6+s19], $0x4E80, s20, s19, $0x38;
	[tilespmem:$0x1CF00] =	vst v63  }
0x13: {  	_ =	swait.ge [sflag:s21], $0x4E80  }
0x14: {  	[sflag:s21] =	ssyncset.done $0x0  }
0x15: {  	s29 =	simm.s32 $0x0;
	s0 =	simm.s32 $0x40;
	[sflag:s21] =	ssyncadd.s32 $0xFFFFB180  }
.LBB2_2:
0x16: {  	p0 =	sne.s32 s0, $0x3E40;
	[tilespmem:s29+$0x5E80] =	vst v0;
	s29 =	smov.u32 s0;
	s0 =	sadd.s32 $0x40, s0  }
.Ltmp0:
0x17: {  	(pc) =	sbr.rel @p0 .LBB2_2-.Ltmp0, $2  }
0x18: {  	_ =	sdelay $0x2  }
0x19: {  	s29 =	sshra.s32 s29, $0x2  }
0x1a: {  	[tilespmem:s29+$0x5E80] =	vst v0;
	s29 =	simm.s32 $0x0;
	s0 =	simm.s32 $0x40;
	s30 =	simm.s32 $0x0  }
.LBB2_4:
0x1b: {  	p0 =	sne.s32 s0, $0x7FC0;
	[tilespmem:s30+$0x6E80] =	vst v1;
	s30 =	smov.u32 s0;
	s0 =	sadd.s32 $0x40, s0  }
.Ltmp1:
0x1c: {  	(pc) =	sbr.rel @p0 .LBB2_4-.Ltmp1, $2  }
0x1d: {  	_ =	sdelay $0x2  }
0x1e: {  	s30 =	sshra.s32 s30, $0x2  }
0x1f: {  	[tilespmem:s30+$0x6E80] =	vst v1  }
.LBB2_6:
0x20: {  	[spmem:s8] =	stream.linear.scatter [tilespmem:s22], [sflag:$0x1], $0x2000, $0x38;
	[tilespmem:$0x1CF00] =	vst v63  }
0x21: {  	_ =	swait.ge [sflag:s21], $0x2000  }
0x22: {  	[sflag:s21] =	ssyncset.done $0x0  }
0x23: {  	[sflag:s21] =	ssyncadd.s32 $0xFFFFE000  }
0x24: {  	[spmem:s10] =	stream.linear.scatter [tilespmem:s22], [sflag:$0x1], $0x2000, $0x38;
	[tilespmem:$0x1CF00] =	vst v63  }
0x25: {  	_ =	swait.ge [sflag:s21], $0x2000  }
0x26: {  	[sflag:s21] =	ssyncset.done $0x0  }
0x27: {  	[sflag:s21] =	ssyncadd.s32 $0xFFFFE000  }
0x28: {  	[spmem:s11] =	stream.linear.scatter [tilespmem:s22], [sflag:$0x1], $0x2000, $0x38;
	[tilespmem:$0x1CF00] =	vst v63  }
0x29: {  	_ =	swait.ge [sflag:s21], $0x2000  }
0x2a: {  	[sflag:s21] =	ssyncset.done $0x0  }
0x2b: {  	[sflag:s21] =	ssyncadd.s32 $0xFFFFE000  }
0x2c: {  	[spmem:s12] =	stream.linear.scatter [tilespmem:s22], [sflag:$0x1], $0x2000, $0x38;
	[tilespmem:$0x1CF00] =	vst v63  }
0x2d: {  	_ =	swait.ge [sflag:s21], $0x2000  }
0x2e: {  	[sflag:s21] =	ssyncset.done $0x0  }
0x2f: {  	[sflag:s21] =	ssyncadd.s32 $0xFFFFE000  }
0x30: {  	[spmem:s13] =	stream.linear.scatter [tilespmem:s22], [sflag:$0x1], $0x2000, $0x38;
	[tilespmem:$0x1CF00] =	vst v63  }
0x31: {  	_ =	swait.ge [sflag:s21], $0x2000  }
0x32: {  	[sflag:s21] =	ssyncset.done $0x0  }
0x33: {  	[sflag:s21] =	ssyncadd.s32 $0xFFFFE000  }
0x34: {  	[spmem:s14] =	stream.linear.scatter [tilespmem:s22], [sflag:$0x1], $0x2000, $0x38;
	[tilespmem:$0x1CF00] =	vst v63  }
0x35: {  	_ =	swait.ge [sflag:s21], $0x2000  }
0x36: {  	[sflag:s21] =	ssyncset.done $0x0  }
0x37: {  	[sflag:s21] =	ssyncadd.s32 $0xFFFFE000  }
0x38: {  	[spmem:s15] =	stream.linear.scatter [tilespmem:s22], [sflag:$0x1], $0x2000, $0x38;
	[tilespmem:$0x1CF00] =	vst v63  }
0x39: {  	_ =	swait.ge [sflag:s21], $0x2000  }
0x3a: {  	[sflag:s21] =	ssyncset.done $0x0  }
0x3b: {  	[sflag:s21] =	ssyncadd.s32 $0xFFFFE000  }
0x3c: {  	[spmem:s16] =	stream.linear.scatter [tilespmem:s22], [sflag:$0x1], $0x2000, $0x38;
	[tilespmem:$0x1CF00] =	vst v63  }
0x3d: {  	_ =	swait.ge [sflag:s21], $0x2000  }
0x3e: {  	[sflag:s21] =	ssyncset.done $0x0  }
0x3f: {  	[sflag:s21] =	ssyncadd.s32 $0xFFFFE000  }
0x40: {  	[spmem:s17] =	stream.linear.scatter [tilespmem:s22], [sflag:$0x1], $0x2000, $0x38;
	[tilespmem:$0x1CF00] =	vst v63  }
0x41: {  	_ =	swait.ge [sflag:s21], $0x2000  }
0x42: {  	[sflag:s21] =	ssyncset.done $0x0  }
0x43: {  	[sflag:s21] =	ssyncadd.s32 $0xFFFFE000  }
0x44: {  	[spmem:s18] =	stream.linear.scatter [tilespmem:s22], [sflag:$0x1], $0x2000, $0x38;
	[tilespmem:$0x1CF00] =	vst v63  }
0x45: {  	s0 =	smul.u32 $0x280, s29;
	_ =	swait.ge [sflag:s21], $0x2000  }
0x46: {  	[sflag:s21] =	ssyncset.done $0x0  }
0x47: {  	s0 =	sadd.s32 s7, s0;
	[sflag:s21] =	ssyncadd.s32 $0xFFFFE000  }
0x48: {  	s31 =	simm.s32 $0x0;
	s30 =	sshll.u32 s0, $0xB;
	[bflag:$0x0] =	sbarrier.arrive $0xFFFF  }
0x49: {  	s0 =	simm.s32 $0x40;
	v2 =	vmov s30;
	v3 =	vld [tilespmem:s31+$0x0]  }
.LBB2_7:
0x4a: {  	_ =	sdelay $0x1  }
0x4b: {  	p0 =	sne.s32 s0, $0x3E40  }
.Ltmp2:
0x4c: {  	_ = 	snop;
	(pc) =	sbr.rel @p0 .LBB2_7-.Ltmp2, $4  }
0x4d: {  	v4 =	vsub.s32 v3, v2;
	v5 =	vand.u32 $0x7FF, v3  }
0x4e: {  	vm0 =	vlt.u32 v4, $0x140000;
	v5 =	vor.u32 $0x140000, v5  }
0x4f: {  	s4 =	sshra.s32 s0, $0x2;
	v4 =	vsel vm0, v4, v5  }
0x50: {  	s0 =	sadd.s32 $0x40, s0;
	v3 =	vld [tilespmem:s4+$0x0];
	[tilespmem:s31+$0x4E80] =	vst v4;
	s31 =	smov.u32 s4  }
0x51: {  	_ =	sdelay $0x3  }
0x52: {  	v4 =	vsub.s32 v3, v2;
	v3 =	vand.u32 $0x7FF, v3  }
0x53: {  	vm0 =	vlt.u32 v4, $0x140000;
	v3 =	vor.u32 $0x140000, v3  }
0x54: {  	v3 =	vsel vm0, v4, v3  }
0x55: {  	[tilespmem:s31+$0x4E80] =	vst v3  }
0x56: {  	[spmem:s3] =	stream.indirect.scatter.add.f32 [tilespmem:s26], [sflag:$0x1], $0x1, s24, s23, $0xb8;
	[tilespmem:$0x1CF00] =	vst v63  }
0x57: {  	_ =	swait.ge [sflag:s21], $0xFA0  }
0x58: {  	[sflag:s21] =	ssyncset.done $0x0  }
0x59: {  	s31 =	simm.s32 $0x0;
	[sflag:s21] =	ssyncadd.s32 $0xFFFFF060  }
0x5a: {  	s0 =	simm.s32 $0x40;
	v3 =	vld [tilespmem:s31+$0xFA0]  }
.LBB2_9:
0x5b: {  	_ =	sdelay $0x1  }
0x5c: {  	p0 =	sne.s32 s0, $0x3E40  }
.Ltmp3:
0x5d: {  	_ = 	snop;
	(pc) =	sbr.rel @p0 .LBB2_9-.Ltmp3, $4  }
0x5e: {  	v4 =	vsub.s32 v3, v2;
	v5 =	vand.u32 $0x7FF, v3  }
0x5f: {  	vm0 =	vlt.u32 v4, $0x140000;
	v5 =	vor.u32 $0x140000, v5  }
0x60: {  	s4 =	sshra.s32 s0, $0x2;
	v4 =	vsel vm0, v4, v5  }
0x61: {  	s0 =	sadd.s32 $0x40, s0;
	v3 =	vld [tilespmem:s4+$0xFA0];
	[tilespmem:s31+$0x4E80] =	vst v4;
	s31 =	smov.u32 s4  }
0x62: {  	_ =	sdelay $0x3  }
0x63: {  	v4 =	vsub.s32 v3, v2;
	v3 =	vand.u32 $0x7FF, v3  }
0x64: {  	vm0 =	vlt.u32 v4, $0x140000;
	v3 =	vor.u32 $0x140000, v3  }
0x65: {  	v3 =	vsel vm0, v4, v3  }
0x66: {  	[tilespmem:s31+$0x4E80] =	vst v3  }
0x67: {  	[spmem:s3] =	stream.indirect.scatter.add.f32 [tilespmem:s26], [sflag:$0x1], $0x1, s24, s23, $0xb8;
	[tilespmem:$0x1CF00] =	vst v63  }
0x68: {  	_ =	swait.ge [sflag:s21], $0xFA0  }
0x69: {  	[sflag:s21] =	ssyncset.done $0x0  }
0x6a: {  	s31 =	simm.s32 $0x0;
	[sflag:s21] =	ssyncadd.s32 $0xFFFFF060  }
0x6b: {  	s0 =	simm.s32 $0x40;
	v3 =	vld [tilespmem:s31+$0x1F40]  }
.LBB2_11:
0x6c: {  	_ =	sdelay $0x1  }
0x6d: {  	p0 =	sne.s32 s0, $0x3E40  }
.Ltmp4:
0x6e: {  	_ = 	snop;
	(pc) =	sbr.rel @p0 .LBB2_11-.Ltmp4, $4  }
0x6f: {  	v4 =	vsub.s32 v3, v2;
	v5 =	vand.u32 $0x7FF, v3  }
0x70: {  	vm0 =	vlt.u32 v4, $0x140000;
	v5 =	vor.u32 $0x140000, v5  }
0x71: {  	s4 =	sshra.s32 s0, $0x2;
	v4 =	vsel vm0, v4, v5  }
0x72: {  	s0 =	sadd.s32 $0x40, s0;
	v3 =	vld [tilespmem:s4+$0x1F40];
	[tilespmem:s31+$0x4E80] =	vst v4;
	s31 =	smov.u32 s4  }
0x73: {  	_ =	sdelay $0x3  }
0x74: {  	v4 =	vsub.s32 v3, v2;
	v3 =	vand.u32 $0x7FF, v3  }
0x75: {  	vm0 =	vlt.u32 v4, $0x140000;
	v3 =	vor.u32 $0x140000, v3  }
0x76: {  	v3 =	vsel vm0, v4, v3  }
0x77: {  	[tilespmem:s31+$0x4E80] =	vst v3  }
0x78: {  	[spmem:s3] =	stream.indirect.scatter.add.f32 [tilespmem:s26], [sflag:$0x1], $0x1, s24, s23, $0xb8;
	[tilespmem:$0x1CF00] =	vst v63  }
0x79: {  	_ =	swait.ge [sflag:s21], $0xFA0  }
0x7a: {  	[sflag:s21] =	ssyncset.done $0x0  }
0x7b: {  	s31 =	simm.s32 $0x0;
	[sflag:s21] =	ssyncadd.s32 $0xFFFFF060  }
0x7c: {  	s0 =	simm.s32 $0x40;
	v3 =	vld [tilespmem:s31+$0x2EE0]  }
.LBB2_13:
0x7d: {  	_ =	sdelay $0x1  }
0x7e: {  	p0 =	sne.s32 s0, $0x3E40  }
.Ltmp5:
0x7f: {  	_ = 	snop;
	(pc) =	sbr.rel @p0 .LBB2_13-.Ltmp5, $4  }
0x80: {  	v4 =	vsub.s32 v3, v2;
	v5 =	vand.u32 $0x7FF, v3  }
0x81: {  	vm0 =	vlt.u32 v4, $0x140000;
	v5 =	vor.u32 $0x140000, v5  }
0x82: {  	s4 =	sshra.s32 s0, $0x2;
	v4 =	vsel vm0, v4, v5  }
0x83: {  	s0 =	sadd.s32 $0x40, s0;
	v3 =	vld [tilespmem:s4+$0x2EE0];
	[tilespmem:s31+$0x4E80] =	vst v4;
	s31 =	smov.u32 s4  }
0x84: {  	_ =	sdelay $0x3  }
0x85: {  	v4 =	vsub.s32 v3, v2;
	v3 =	vand.u32 $0x7FF, v3  }
0x86: {  	vm0 =	vlt.u32 v4, $0x140000;
	v3 =	vor.u32 $0x140000, v3  }
0x87: {  	v3 =	vsel vm0, v4, v3  }
0x88: {  	[tilespmem:s31+$0x4E80] =	vst v3  }
0x89: {  	[spmem:s3] =	stream.indirect.scatter.add.f32 [tilespmem:s26], [sflag:$0x1], $0x1, s24, s23, $0xb8;
	[tilespmem:$0x1CF00] =	vst v63  }
0x8a: {  	_ =	swait.ge [sflag:s21], $0xFA0  }
0x8b: {  	[sflag:s21] =	ssyncset.done $0x0  }
0x8c: {  	s31 =	simm.s32 $0x0;
	[sflag:s21] =	ssyncadd.s32 $0xFFFFF060  }
0x8d: {  	s0 =	simm.s32 $0x40;
	v3 =	vld [tilespmem:s31+$0x3E80]  }
.LBB2_15:
0x8e: {  	_ =	sdelay $0x1  }
0x8f: {  	p0 =	sne.s32 s0, $0x3E40  }
.Ltmp6:
0x90: {  	_ = 	snop;
	(pc) =	sbr.rel @p0 .LBB2_15-.Ltmp6, $4  }
0x91: {  	v4 =	vsub.s32 v3, v2;
	v5 =	vand.u32 $0x7FF, v3  }
0x92: {  	vm0 =	vlt.u32 v4, $0x140000;
	v5 =	vor.u32 $0x140000, v5  }
0x93: {  	s4 =	sshra.s32 s0, $0x2;
	v4 =	vsel vm0, v4, v5  }
0x94: {  	s0 =	sadd.s32 $0x40, s0;
	v3 =	vld [tilespmem:s4+$0x3E80];
	[tilespmem:s31+$0x4E80] =	vst v4;
	s31 =	smov.u32 s4  }
0x95: {  	_ =	sdelay $0x3  }
0x96: {  	v2 =	vsub.s32 v3, v2;
	v3 =	vand.u32 $0x7FF, v3  }
0x97: {  	vm0 =	vlt.u32 v2, $0x140000;
	v3 =	vor.u32 $0x140000, v3  }
0x98: {  	v2 =	vsel vm0, v2, v3  }
0x99: {  	[tilespmem:s31+$0x4E80] =	vst v2  }
0x9a: {  	[spmem:s3] =	stream.indirect.scatter.add.f32 [tilespmem:s26], [sflag:$0x1], $0x1, s24, s23, $0xb8;
	[tilespmem:$0x1CF00] =	vst v63  }
0x9b: {  	s0 =	sadd.s32 s5, s30;
	_ =	swait.ge [sflag:s21], $0xFA0  }
0x9c: {  	s4 =	sshll.u32 s1, $0x6;
	s29 =	sadd.s32 $0x1, s29;
	[sflag:s21] =	ssyncset.done $0x0  }
0x9d: {  	s0 =	sshrl.u32 s0, $0x3;
	s4 =	sor.u32 $0x1C01, s4;
	[sflag:s21] =	ssyncadd.s32 $0xFFFFF060  }
0x9e: {  	p0 =	sne.s32 s29, $0x4;
	s0 =	sadd.s32 s2, s0;
	[bflag:$0x0] =	sbarrier.arrive $0xFFFF  }
0x9f: {  	[hbm:s0], [sflag:s4] =	dma.local [spmem:s25], $0x2800  }
.Ltmp7:
0xa0: {  	_ =	swait.ge [sflag:s21], $0x2800;
	(pc) =	sbr.rel @p0 .LBB2_6-.Ltmp7, $3  }
0xa1: {  	[sflag:s21] =	ssyncset.done $0x0  }
0xa2: {  	[sflag:s21] =	ssyncadd.s32 $0xFFFFD800  }
0xa3: {  	[bflag:$0x0] =	sbarrier.arrive $0xFFFF;
	_ =	sdelay $0x1  }
0xa4: {  	s28 =	sadd.s32 $0x1, s28  }
0xa5: {  	p0 =	sne.s32 s28, s9  }
.Ltmp8:
0xa6: {  	_ = 	snop;
	(pc) =	sbr.rel @p0 .LBB2_1-.Ltmp8, $1  }
0xa7: {  	_ =	sdelay $0x3  }
0xa8: {  	_ =	sfence.sel $0x180000  }
0xa9: {  	[bflag:$0x0] =	sbarrier.arrive $0xFFFF  }
0xaa: {  	_ =	strace $0x90000047  }
0xab: {  	[bflag:$0x2] =	sbarrier.arrive $0xFFFF  }
0xac: {  	p0 =	sne.s32 s1, $0x0;
	s0 =	rddreg [dreg:$0x3]  }
0xad: {  	s0 =	sadd.s32 @!p0 $0x100000, s0  }
0xae: {  	[sflag:s0] =	ssyncadd.tile.s32 @!p0 $0x1;
	_ =	shalt  }
.Lfunc_end2:
_tile_overlayer_lowered:
.L_overlay_start_2:
0xaf: {  	(tag) =	ssettag $0x2  }
0xb0: {  	s0 =	rddreg [dreg:$0x0];
	s2 =	stileid.u32  }
0xb1: {  	s1 =	rddreg [dreg:$0x1];
	p0 =	sne.s32 s2, $0x0  }
0xb2: {  	s3 =	rddreg [dreg:$0x2];
	[bflag:$0x3] =	sbarrier.arrive $0xFFFF;
	s2 =	simm.s32 @!p0 $0x1C01  }
0xb3: {  	[timem:s3], [sflag:s2] =	dma.local @!p0 [hbm:s0], s1  }
0xb4: {  	s0 =	simm.s32 @!p0 $0x1  }
0xb5: {  	_ =	swait.ge @!p0 [sflag:s0], s1  }
0xb6: {  	s1 =	ssub.s32 @!p0 $0x0, s1;
	[sflag:s0] =	ssyncset.done @!p0 $0x0  }
0xb7: {  	[sflag:s0] =	ssyncadd.s32 @!p0 s1  }
0xb8: {  	[bflag:$0x3] =	sbarrier.arrive $0xFFFF  }
0xb9: {  	_ =	shalt  }

</sc_bundles>
